<compile_context>
chip_gen: v7x
topology: tpu7x:2x2x1
jax: 0.10.2.dev20260603
libtpu: 0.0.44.dev20260713+nightly
codegen_flags: <defaults>
</compile_context>

<pallas_src>
import functools

import jax
import jax.numpy as jnp
from jax import lax
from jax.experimental import pallas as pl
from jax.experimental.pallas import tpu as pltpu
from jax.experimental.pallas import tpu_sc as plsc

NUM_NODES = 1000000
H_DIM = 64
N_LOOKUPS = 819200

NC, NS = 2, 16
NW = NC * NS
B_PER_W = N_LOOKUPS // NW
CHUNK = 256
N_CHUNKS = B_PER_W // CHUNK
NBUF = 3


@functools.partial(
    pl.kernel,
    out_type=jax.ShapeDtypeStruct((N_LOOKUPS, 2 * H_DIM), jnp.float32),
    mesh=plsc.VectorSubcoreMesh(core_axis_name="c", subcore_axis_name="s"),
    scratch_types=[
        pltpu.VMEM((B_PER_W,), jnp.int32),
        pltpu.VMEM((CHUNK, 2 * H_DIM), jnp.float32),
        pltpu.VMEM((CHUNK, 2 * H_DIM), jnp.float32),
        pltpu.VMEM((CHUNK, 2 * H_DIM), jnp.float32),
        pltpu.SemaphoreType.DMA,
        pltpu.SemaphoreType.DMA,
        pltpu.SemaphoreType.DMA,
        pltpu.SemaphoreType.DMA,
        pltpu.SemaphoreType.DMA,
        pltpu.SemaphoreType.DMA,
    ],
)
def _gather_kernel(idx_hbm, wp_hbm, out_hbm, idx_v, buf0, buf1, buf2,
                   g0, g1, g2, s0, s1, s2):
    wid = lax.axis_index("s") * NC + lax.axis_index("c")
    base = wid * B_PER_W
    bufs = (buf0, buf1, buf2)
    gsems = (g0, g1, g2)
    ssems = (s0, s1, s2)

    pltpu.sync_copy(idx_hbm.at[pl.ds(base, B_PER_W)], idx_v)

    def gather_start(i, b):
        pltpu.async_copy(wp_hbm.at[idx_v.at[pl.ds(i * CHUNK, CHUNK)]],
                         bufs[b], gsems[b])

    def gather_wait(b):
        pltpu.make_async_copy(wp_hbm.at[pl.ds(0, CHUNK)], bufs[b],
                              gsems[b]).wait()

    def store_start(i, b):
        pltpu.async_copy(bufs[b], out_hbm.at[pl.ds(base + i * CHUNK, CHUNK)],
                         ssems[b])

    def store_wait(b):
        pltpu.make_async_copy(bufs[b], out_hbm.at[pl.ds(0, CHUNK)],
                              ssems[b]).wait()

    gather_start(0, 0)
    gather_start(1, 1)

    gather_wait(0)
    store_start(0, 0)
    gather_start(2, 2)

    def body(jo, carry):
        for u in range(3):
            j = jo * 3 + 1 + u
            b = (1 + u) % NBUF
            bn = (3 + u) % NBUF
            gather_wait(b)
            store_start(j, b)
            store_wait(bn)
            gather_start(j + 2, bn)
        return carry

    lax.fori_loop(0, (N_CHUNKS - 4) // 3, body, 0)

    store_wait((N_CHUNKS - 1) % NBUF)
    gather_start(N_CHUNKS - 1, (N_CHUNKS - 1) % NBUF)
    for j in range(N_CHUNKS - 3, N_CHUNKS):
        b = j % NBUF
        gather_wait(b)
        store_start(j, b)
    for j in range(N_CHUNKS - 3, N_CHUNKS):
        store_wait(j % NBUF)


def kernel(node_id, weight):
    node_id = jnp.squeeze(node_id).astype(jnp.int32)
    wp = jnp.concatenate(
        [weight, jnp.zeros((NUM_NODES, H_DIM), jnp.float32)], axis=1)
    return _gather_kernel(node_id, wp)[:, :H_DIM]

# --- scband reference (transcript-rebuilt; emitter-appended) ---
"""Pipeline reference for scband-embedding-layer-7825430413684 (READ-ONLY COPY).

The authoritative reference and input builder live on the scoring server;
editing this copy changes nothing except your own understanding.
"""

import jax, jax.numpy as jnp
import numpy as np

NUM_NODES = 1000000
H_DIM = 64
N_LOOKUPS = 819200

def setup_inputs(seed: int = 0) -> dict:
    key = jax.random.key(seed)
    k_idx, k_w = jax.random.split(key)
    node_id = jax.random.randint(k_idx, (N_LOOKUPS,), 0, NUM_NODES, dtype=jnp.int64 if jax.config.jax_enable_x64 else jnp.int32)
    weight = jax.random.normal(k_w, (NUM_NODES, H_DIM), dtype=jnp.float32)
    return {"node_id": node_id, "weight": weight}

def reference(node_id, weight):
    # EmbeddingLayer.forward: squeeze indices and look up embeddings
    node_id = jnp.squeeze(node_id)
    h = jnp.take(weight, node_id, axis=0)
    return h

if __name__ == "__main__":
    import jax
    _d = setup_inputs()
    print(jax.jit(kernel)(*tuple(_d.values())))

</pallas_src>

<mosaic_0001>
#map = affine_map<(d0, d1) -> (0)>
#map1 = affine_map<(d0, d1) -> (0, 0)>
module attributes {stable_mosaic.version = 14 : i64} {
  func.func @_gather_kernel(%arg0: i32, %arg1: i32, %arg2: memref<819200xi32, #tpu.memory_space<hbm>>, %arg3: memref<1000000x128xf32, #tpu.memory_space<hbm>>, %arg4: memref<819200x128xf32, #tpu.memory_space<hbm>>, %arg5: memref<25600xi32, #tpu.memory_space<vmem>>, %arg6: memref<256x128xf32, #tpu.memory_space<vmem>>, %arg7: memref<256x128xf32, #tpu.memory_space<vmem>>, %arg8: memref<256x128xf32, #tpu.memory_space<vmem>>, %arg9: memref<!tpu.dma_semaphore, #tpu.memory_space<semaphore_mem>>, %arg10: memref<!tpu.dma_semaphore, #tpu.memory_space<semaphore_mem>>, %arg11: memref<!tpu.dma_semaphore, #tpu.memory_space<semaphore_mem>>, %arg12: memref<!tpu.dma_semaphore, #tpu.memory_space<semaphore_mem>>, %arg13: memref<!tpu.dma_semaphore, #tpu.memory_space<semaphore_mem>>, %arg14: memref<!tpu.dma_semaphore, #tpu.memory_space<semaphore_mem>>) attributes {dimension_semantics = [#tpu.dimension_semantics<core_parallel>, #tpu.dimension_semantics<subcore_parallel>], iteration_bounds = array<i64: 2, 16>, scalar_prefetch = 0 : i64, scratch_operands = 10 : i64, tpu.core_type = #tpu.core_type<sc_vector_subcore>, window_params = [{transform_indices = #map}, {transform_indices = #map1}, {transform_indices = #map1}]} {
    %mul3A = arith.constant 2 : i32
    %mul3A_0 = arith.muli %arg1, %mul3A : i32
    %add3A = arith.addi %mul3A_0, %arg0 : i32
    %mul3A_1 = arith.constant 25600 : i32
    %mul3A_2 = arith.muli %add3A, %mul3A_1 : i32
    "tpu.region"() ({
      %run_scoped3A = tpu.sem_alloc : memref<!tpu.dma_semaphore, #tpu.memory_space<semaphore_mem>>
      %dma_start3A_98 = tpu.memref_slice %arg2[%mul3A_2] : memref<819200xi32, #tpu.memory_space<hbm>> -> memref<25600xi32, #tpu.memory_space<hbm>>
      %dma_start3A_99 = tpu.memref_slice %arg2[%mul3A_2] : memref<819200xi32, #tpu.memory_space<hbm>> -> memref<25600xi32, #tpu.memory_space<hbm>>
      tpu.enqueue_dma source(%dma_start3A_99 : memref<25600xi32, #tpu.memory_space<hbm>>) target(%arg5 : memref<25600xi32, #tpu.memory_space<vmem>>) target_semaphore(%run_scoped3A : memref<!tpu.dma_semaphore, #tpu.memory_space<semaphore_mem>>)
      %dma_wait3A_100 = tpu.memref_slice %arg2[%mul3A_2] : memref<819200xi32, #tpu.memory_space<hbm>> -> memref<25600xi32, #tpu.memory_space<hbm>>
      %dma_wait3A_101 = tpu.memref_slice %arg2[%mul3A_2] : memref<819200xi32, #tpu.memory_space<hbm>> -> memref<25600xi32, #tpu.memory_space<hbm>>
      tpu.wait_dma2 semaphore(%run_scoped3A : memref<!tpu.dma_semaphore, #tpu.memory_space<semaphore_mem>>) src(%dma_wait3A_101 : memref<25600xi32, #tpu.memory_space<hbm>>) dst(%arg5 : memref<25600xi32, #tpu.memory_space<vmem>>)
      tpu.yield
    }) : () -> ()
    %dma_start3A = arith.constant 0 : i32
    %dma_start3A_3 = tpu.memref_slice %arg5[%dma_start3A] : memref<25600xi32, #tpu.memory_space<vmem>> -> memref<256xi32, #tpu.memory_space<vmem>>
    %dma_start3A_4 = arith.constant 0 : i32
    %dma_start3A_5 = arith.constant 0 : i32
    %dma_start3A_6 = tpu.memref_slice %arg3[%dma_start3A_4, %dma_start3A_5] : memref<1000000x128xf32, #tpu.memory_space<hbm>> -> memref<1000000x128xf32, #tpu.memory_space<hbm>>
    tpu.enqueue_indirect_dma source(%dma_start3A_6 : memref<1000000x128xf32, #tpu.memory_space<hbm>>) target(%arg6 : memref<256x128xf32, #tpu.memory_space<vmem>>) offsets(%dma_start3A_3 : memref<256xi32, #tpu.memory_space<vmem>>) semaphore(%arg9 : memref<!tpu.dma_semaphore, #tpu.memory_space<semaphore_mem>>)
    %dma_start3A_7 = arith.constant 256 : i32
    %dma_start3A_8 = tpu.memref_slice %arg5[%dma_start3A_7] : memref<25600xi32, #tpu.memory_space<vmem>> -> memref<256xi32, #tpu.memory_space<vmem>>
    %dma_start3A_9 = arith.constant 0 : i32
    %dma_start3A_10 = arith.constant 0 : i32
    %dma_start3A_11 = tpu.memref_slice %arg3[%dma_start3A_9, %dma_start3A_10] : memref<1000000x128xf32, #tpu.memory_space<hbm>> -> memref<1000000x128xf32, #tpu.memory_space<hbm>>
    tpu.enqueue_indirect_dma source(%dma_start3A_11 : memref<1000000x128xf32, #tpu.memory_space<hbm>>) target(%arg7 : memref<256x128xf32, #tpu.memory_space<vmem>>) offsets(%dma_start3A_8 : memref<256xi32, #tpu.memory_space<vmem>>) semaphore(%arg10 : memref<!tpu.dma_semaphore, #tpu.memory_space<semaphore_mem>>)
    %dma_wait3A = arith.constant 0 : i32
    %dma_wait3A_12 = arith.constant 0 : i32
    %dma_wait3A_13 = tpu.memref_slice %arg3[%dma_wait3A, %dma_wait3A_12] : memref<1000000x128xf32, #tpu.memory_space<hbm>> -> memref<256x128xf32, #tpu.memory_space<hbm>>
    %dma_wait3A_14 = arith.constant 0 : i32
    %dma_wait3A_15 = arith.constant 0 : i32
    %dma_wait3A_16 = tpu.memref_slice %arg3[%dma_wait3A_14, %dma_wait3A_15] : memref<1000000x128xf32, #tpu.memory_space<hbm>> -> memref<256x128xf32, #tpu.memory_space<hbm>>
    tpu.wait_dma2 semaphore(%arg9 : memref<!tpu.dma_semaphore, #tpu.memory_space<semaphore_mem>>) src(%dma_wait3A_16 : memref<256x128xf32, #tpu.memory_space<hbm>>) dst(%arg6 : memref<256x128xf32, #tpu.memory_space<vmem>>)
    %add3A_17 = arith.constant 0 : i32
    %add3A_18 = arith.addi %mul3A_2, %add3A_17 : i32
    %dma_start3A_19 = arith.constant 0 : i32
    %dma_start3A_20 = tpu.memref_slice %arg4[%add3A_18, %dma_start3A_19] : memref<819200x128xf32, #tpu.memory_space<hbm>> -> memref<256x128xf32, #tpu.memory_space<hbm>>
    %dma_start3A_21 = arith.constant 0 : i32
    %dma_start3A_22 = tpu.memref_slice %arg4[%add3A_18, %dma_start3A_21] : memref<819200x128xf32, #tpu.memory_space<hbm>> -> memref<256x128xf32, #tpu.memory_space<hbm>>
    tpu.enqueue_dma source(%arg6 : memref<256x128xf32, #tpu.memory_space<vmem>>) target(%dma_start3A_22 : memref<256x128xf32, #tpu.memory_space<hbm>>) target_semaphore(%arg12 : memref<!tpu.dma_semaphore, #tpu.memory_space<semaphore_mem>>)
    %dma_start3A_23 = arith.constant 512 : i32
    %dma_start3A_24 = tpu.memref_slice %arg5[%dma_start3A_23] : memref<25600xi32, #tpu.memory_space<vmem>> -> memref<256xi32, #tpu.memory_space<vmem>>
    %dma_start3A_25 = arith.constant 0 : i32
    %dma_start3A_26 = arith.constant 0 : i32
    %dma_start3A_27 = tpu.memref_slice %arg3[%dma_start3A_25, %dma_start3A_26] : memref<1000000x128xf32, #tpu.memory_space<hbm>> -> memref<1000000x128xf32, #tpu.memory_space<hbm>>
    tpu.enqueue_indirect_dma source(%dma_start3A_27 : memref<1000000x128xf32, #tpu.memory_space<hbm>>) target(%arg8 : memref<256x128xf32, #tpu.memory_space<vmem>>) offsets(%dma_start3A_24 : memref<256xi32, #tpu.memory_space<vmem>>) semaphore(%arg11 : memref<!tpu.dma_semaphore, #tpu.memory_space<semaphore_mem>>)
    %scan3A = arith.constant 0 : i32
    %scan3A_28 = arith.constant 0 : i32
    %scan3A_29 = arith.constant 32 : i32
    %scan3A_30 = arith.addi %scan3A_28, %scan3A_29 : i32
    %scan3A_31 = arith.constant 1 : i32
    scf.for %scan3A_98 = %scan3A_28 to %scan3A_30 step %scan3A_31  : i32 {
      %mul3A_99 = arith.constant 3 : i32
      %mul3A_100 = arith.muli %scan3A_98, %mul3A_99 : i32
      %add3A_101 = arith.constant 1 : i32
      %add3A_102 = arith.addi %mul3A_100, %add3A_101 : i32
      %add3A_103 = arith.constant 0 : i32
      %add3A_104 = arith.addi %add3A_102, %add3A_103 : i32
      %dma_wait3A_105 = arith.constant 0 : i32
      %dma_wait3A_106 = arith.constant 0 : i32
      %dma_wait3A_107 = tpu.memref_slice %arg3[%dma_wait3A_105, %dma_wait3A_106] : memref<1000000x128xf32, #tpu.memory_space<hbm>> -> memref<256x128xf32, #tpu.memory_space<hbm>>
      %dma_wait3A_108 = arith.constant 0 : i32
      %dma_wait3A_109 = arith.constant 0 : i32
      %dma_wait3A_110 = tpu.memref_slice %arg3[%dma_wait3A_108, %dma_wait3A_109] : memref<1000000x128xf32, #tpu.memory_space<hbm>> -> memref<256x128xf32, #tpu.memory_space<hbm>>
      tpu.wait_dma2 semaphore(%arg10 : memref<!tpu.dma_semaphore, #tpu.memory_space<semaphore_mem>>) src(%dma_wait3A_110 : memref<256x128xf32, #tpu.memory_space<hbm>>) dst(%arg7 : memref<256x128xf32, #tpu.memory_space<vmem>>)
      %mul3A_111 = arith.constant 256 : i32
      %mul3A_112 = arith.muli %add3A_104, %mul3A_111 : i32
      %add3A_113 = arith.addi %mul3A_2, %mul3A_112 : i32
      %dma_start3A_114 = arith.constant 0 : i32
      %dma_start3A_115 = tpu.memref_slice %arg4[%add3A_113, %dma_start3A_114] : memref<819200x128xf32, #tpu.memory_space<hbm>> -> memref<256x128xf32, #tpu.memory_space<hbm>>
      %dma_start3A_116 = arith.constant 0 : i32
      %dma_start3A_117 = tpu.memref_slice %arg4[%add3A_113, %dma_start3A_116] : memref<819200x128xf32, #tpu.memory_space<hbm>> -> memref<256x128xf32, #tpu.memory_space<hbm>>
      tpu.enqueue_dma source(%arg7 : memref<256x128xf32, #tpu.memory_space<vmem>>) target(%dma_start3A_117 : memref<256x128xf32, #tpu.memory_space<hbm>>) target_semaphore(%arg13 : memref<!tpu.dma_semaphore, #tpu.memory_space<semaphore_mem>>)
      %dma_wait3A_118 = arith.constant 0 : i32
      %dma_wait3A_119 = arith.constant 0 : i32
      %dma_wait3A_120 = tpu.memref_slice %arg4[%dma_wait3A_118, %dma_wait3A_119] : memref<819200x128xf32, #tpu.memory_space<hbm>> -> memref<256x128xf32, #tpu.memory_space<hbm>>
      %dma_wait3A_121 = arith.constant 0 : i32
      %dma_wait3A_122 = arith.constant 0 : i32
      %dma_wait3A_123 = tpu.memref_slice %arg4[%dma_wait3A_121, %dma_wait3A_122] : memref<819200x128xf32, #tpu.memory_space<hbm>> -> memref<256x128xf32, #tpu.memory_space<hbm>>
      tpu.wait_dma2 semaphore(%arg12 : memref<!tpu.dma_semaphore, #tpu.memory_space<semaphore_mem>>) src(%arg6 : memref<256x128xf32, #tpu.memory_space<vmem>>) dst(%dma_wait3A_123 : memref<256x128xf32, #tpu.memory_space<hbm>>)
      %add3A_124 = arith.constant 2 : i32
      %add3A_125 = arith.addi %add3A_104, %add3A_124 : i32
      %mul3A_126 = arith.constant 256 : i32
      %mul3A_127 = arith.muli %add3A_125, %mul3A_126 : i32
      %dma_start3A_128 = tpu.memref_slice %arg5[%mul3A_127] : memref<25600xi32, #tpu.memory_space<vmem>> -> memref<256xi32, #tpu.memory_space<vmem>>
      %dma_start3A_129 = arith.constant 0 : i32
      %dma_start3A_130 = arith.constant 0 : i32
      %dma_start3A_131 = tpu.memref_slice %arg3[%dma_start3A_129, %dma_start3A_130] : memref<1000000x128xf32, #tpu.memory_space<hbm>> -> memref<1000000x128xf32, #tpu.memory_space<hbm>>
      tpu.enqueue_indirect_dma source(%dma_start3A_131 : memref<1000000x128xf32, #tpu.memory_space<hbm>>) target(%arg6 : memref<256x128xf32, #tpu.memory_space<vmem>>) offsets(%dma_start3A_128 : memref<256xi32, #tpu.memory_space<vmem>>) semaphore(%arg9 : memref<!tpu.dma_semaphore, #tpu.memory_space<semaphore_mem>>)
      %mul3A_132 = arith.constant 3 : i32
      %mul3A_133 = arith.muli %scan3A_98, %mul3A_132 : i32
      %add3A_134 = arith.constant 1 : i32
      %add3A_135 = arith.addi %mul3A_133, %add3A_134 : i32
      %add3A_136 = arith.constant 1 : i32
      %add3A_137 = arith.addi %add3A_135, %add3A_136 : i32
      %dma_wait3A_138 = arith.constant 0 : i32
      %dma_wait3A_139 = arith.constant 0 : i32
      %dma_wait3A_140 = tpu.memref_slice %arg3[%dma_wait3A_138, %dma_wait3A_139] : memref<1000000x128xf32, #tpu.memory_space<hbm>> -> memref<256x128xf32, #tpu.memory_space<hbm>>
      %dma_wait3A_141 = arith.constant 0 : i32
      %dma_wait3A_142 = arith.constant 0 : i32
      %dma_wait3A_143 = tpu.memref_slice %arg3[%dma_wait3A_141, %dma_wait3A_142] : memref<1000000x128xf32, #tpu.memory_space<hbm>> -> memref<256x128xf32, #tpu.memory_space<hbm>>
      tpu.wait_dma2 semaphore(%arg11 : memref<!tpu.dma_semaphore, #tpu.memory_space<semaphore_mem>>) src(%dma_wait3A_143 : memref<256x128xf32, #tpu.memory_space<hbm>>) dst(%arg8 : memref<256x128xf32, #tpu.memory_space<vmem>>)
      %mul3A_144 = arith.constant 256 : i32
      %mul3A_145 = arith.muli %add3A_137, %mul3A_144 : i32
      %add3A_146 = arith.addi %mul3A_2, %mul3A_145 : i32
      %dma_start3A_147 = arith.constant 0 : i32
      %dma_start3A_148 = tpu.memref_slice %arg4[%add3A_146, %dma_start3A_147] : memref<819200x128xf32, #tpu.memory_space<hbm>> -> memref<256x128xf32, #tpu.memory_space<hbm>>
      %dma_start3A_149 = arith.constant 0 : i32
      %dma_start3A_150 = tpu.memref_slice %arg4[%add3A_146, %dma_start3A_149] : memref<819200x128xf32, #tpu.memory_space<hbm>> -> memref<256x128xf32, #tpu.memory_space<hbm>>
      tpu.enqueue_dma source(%arg8 : memref<256x128xf32, #tpu.memory_space<vmem>>) target(%dma_start3A_150 : memref<256x128xf32, #tpu.memory_space<hbm>>) target_semaphore(%arg14 : memref<!tpu.dma_semaphore, #tpu.memory_space<semaphore_mem>>)
      %dma_wait3A_151 = arith.constant 0 : i32
      %dma_wait3A_152 = arith.constant 0 : i32
      %dma_wait3A_153 = tpu.memref_slice %arg4[%dma_wait3A_151, %dma_wait3A_152] : memref<819200x128xf32, #tpu.memory_space<hbm>> -> memref<256x128xf32, #tpu.memory_space<hbm>>
      %dma_wait3A_154 = arith.constant 0 : i32
      %dma_wait3A_155 = arith.constant 0 : i32
      %dma_wait3A_156 = tpu.memref_slice %arg4[%dma_wait3A_154, %dma_wait3A_155] : memref<819200x128xf32, #tpu.memory_space<hbm>> -> memref<256x128xf32, #tpu.memory_space<hbm>>
      tpu.wait_dma2 semaphore(%arg13 : memref<!tpu.dma_semaphore, #tpu.memory_space<semaphore_mem>>) src(%arg7 : memref<256x128xf32, #tpu.memory_space<vmem>>) dst(%dma_wait3A_156 : memref<256x128xf32, #tpu.memory_space<hbm>>)
      %add3A_157 = arith.constant 2 : i32
      %add3A_158 = arith.addi %add3A_137, %add3A_157 : i32
      %mul3A_159 = arith.constant 256 : i32
      %mul3A_160 = arith.muli %add3A_158, %mul3A_159 : i32
      %dma_start3A_161 = tpu.memref_slice %arg5[%mul3A_160] : memref<25600xi32, #tpu.memory_space<vmem>> -> memref<256xi32, #tpu.memory_space<vmem>>
      %dma_start3A_162 = arith.constant 0 : i32
      %dma_start3A_163 = arith.constant 0 : i32
      %dma_start3A_164 = tpu.memref_slice %arg3[%dma_start3A_162, %dma_start3A_163] : memref<1000000x128xf32, #tpu.memory_space<hbm>> -> memref<1000000x128xf32, #tpu.memory_space<hbm>>
      tpu.enqueue_indirect_dma source(%dma_start3A_164 : memref<1000000x128xf32, #tpu.memory_space<hbm>>) target(%arg7 : memref<256x128xf32, #tpu.memory_space<vmem>>) offsets(%dma_start3A_161 : memref<256xi32, #tpu.memory_space<vmem>>) semaphore(%arg10 : memref<!tpu.dma_semaphore, #tpu.memory_space<semaphore_mem>>)
      %mul3A_165 = arith.constant 3 : i32
      %mul3A_166 = arith.muli %scan3A_98, %mul3A_165 : i32
      %add3A_167 = arith.constant 1 : i32
      %add3A_168 = arith.addi %mul3A_166, %add3A_167 : i32
      %add3A_169 = arith.constant 2 : i32
      %add3A_170 = arith.addi %add3A_168, %add3A_169 : i32
      %dma_wait3A_171 = arith.constant 0 : i32
      %dma_wait3A_172 = arith.constant 0 : i32
      %dma_wait3A_173 = tpu.memref_slice %arg3[%dma_wait3A_171, %dma_wait3A_172] : memref<1000000x128xf32, #tpu.memory_space<hbm>> -> memref<256x128xf32, #tpu.memory_space<hbm>>
      %dma_wait3A_174 = arith.constant 0 : i32
      %dma_wait3A_175 = arith.constant 0 : i32
      %dma_wait3A_176 = tpu.memref_slice %arg3[%dma_wait3A_174, %dma_wait3A_175] : memref<1000000x128xf32, #tpu.memory_space<hbm>> -> memref<256x128xf32, #tpu.memory_space<hbm>>
      tpu.wait_dma2 semaphore(%arg9 : memref<!tpu.dma_semaphore, #tpu.memory_space<semaphore_mem>>) src(%dma_wait3A_176 : memref<256x128xf32, #tpu.memory_space<hbm>>) dst(%arg6 : memref<256x128xf32, #tpu.memory_space<vmem>>)
      %mul3A_177 = arith.constant 256 : i32
      %mul3A_178 = arith.muli %add3A_170, %mul3A_177 : i32
      %add3A_179 = arith.addi %mul3A_2, %mul3A_178 : i32
      %dma_start3A_180 = arith.constant 0 : i32
      %dma_start3A_181 = tpu.memref_slice %arg4[%add3A_179, %dma_start3A_180] : memref<819200x128xf32, #tpu.memory_space<hbm>> -> memref<256x128xf32, #tpu.memory_space<hbm>>
      %dma_start3A_182 = arith.constant 0 : i32
      %dma_start3A_183 = tpu.memref_slice %arg4[%add3A_179, %dma_start3A_182] : memref<819200x128xf32, #tpu.memory_space<hbm>> -> memref<256x128xf32, #tpu.memory_space<hbm>>
      tpu.enqueue_dma source(%arg6 : memref<256x128xf32, #tpu.memory_space<vmem>>) target(%dma_start3A_183 : memref<256x128xf32, #tpu.memory_space<hbm>>) target_semaphore(%arg12 : memref<!tpu.dma_semaphore, #tpu.memory_space<semaphore_mem>>)
      %dma_wait3A_184 = arith.constant 0 : i32
      %dma_wait3A_185 = arith.constant 0 : i32
      %dma_wait3A_186 = tpu.memref_slice %arg4[%dma_wait3A_184, %dma_wait3A_185] : memref<819200x128xf32, #tpu.memory_space<hbm>> -> memref<256x128xf32, #tpu.memory_space<hbm>>
      %dma_wait3A_187 = arith.constant 0 : i32
      %dma_wait3A_188 = arith.constant 0 : i32
      %dma_wait3A_189 = tpu.memref_slice %arg4[%dma_wait3A_187, %dma_wait3A_188] : memref<819200x128xf32, #tpu.memory_space<hbm>> -> memref<256x128xf32, #tpu.memory_space<hbm>>
      tpu.wait_dma2 semaphore(%arg14 : memref<!tpu.dma_semaphore, #tpu.memory_space<semaphore_mem>>) src(%arg8 : memref<256x128xf32, #tpu.memory_space<vmem>>) dst(%dma_wait3A_189 : memref<256x128xf32, #tpu.memory_space<hbm>>)
      %add3A_190 = arith.constant 2 : i32
      %add3A_191 = arith.addi %add3A_170, %add3A_190 : i32
      %mul3A_192 = arith.constant 256 : i32
      %mul3A_193 = arith.muli %add3A_191, %mul3A_192 : i32
      %dma_start3A_194 = tpu.memref_slice %arg5[%mul3A_193] : memref<25600xi32, #tpu.memory_space<vmem>> -> memref<256xi32, #tpu.memory_space<vmem>>
      %dma_start3A_195 = arith.constant 0 : i32
      %dma_start3A_196 = arith.constant 0 : i32
      %dma_start3A_197 = tpu.memref_slice %arg3[%dma_start3A_195, %dma_start3A_196] : memref<1000000x128xf32, #tpu.memory_space<hbm>> -> memref<1000000x128xf32, #tpu.memory_space<hbm>>
      tpu.enqueue_indirect_dma source(%dma_start3A_197 : memref<1000000x128xf32, #tpu.memory_space<hbm>>) target(%arg8 : memref<256x128xf32, #tpu.memory_space<vmem>>) offsets(%dma_start3A_194 : memref<256xi32, #tpu.memory_space<vmem>>) semaphore(%arg11 : memref<!tpu.dma_semaphore, #tpu.memory_space<semaphore_mem>>)
    }
    %scan3A_32 = arith.constant 32 : i32
    %dma_wait3A_33 = arith.constant 0 : i32
    %dma_wait3A_34 = arith.constant 0 : i32
    %dma_wait3A_35 = tpu.memref_slice %arg4[%dma_wait3A_33, %dma_wait3A_34] : memref<819200x128xf32, #tpu.memory_space<hbm>> -> memref<256x128xf32, #tpu.memory_space<hbm>>
    %dma_wait3A_36 = arith.constant 0 : i32
    %dma_wait3A_37 = arith.constant 0 : i32
    %dma_wait3A_38 = tpu.memref_slice %arg4[%dma_wait3A_36, %dma_wait3A_37] : memref<819200x128xf32, #tpu.memory_space<hbm>> -> memref<256x128xf32, #tpu.memory_space<hbm>>
    tpu.wait_dma2 semaphore(%arg12 : memref<!tpu.dma_semaphore, #tpu.memory_space<semaphore_mem>>) src(%arg6 : memref<256x128xf32, #tpu.memory_space<vmem>>) dst(%dma_wait3A_38 : memref<256x128xf32, #tpu.memory_space<hbm>>)
    %dma_start3A_39 = arith.constant 25344 : i32
    %dma_start3A_40 = tpu.memref_slice %arg5[%dma_start3A_39] : memref<25600xi32, #tpu.memory_space<vmem>> -> memref<256xi32, #tpu.memory_space<vmem>>
    %dma_start3A_41 = arith.constant 0 : i32
    %dma_start3A_42 = arith.constant 0 : i32
    %dma_start3A_43 = tpu.memref_slice %arg3[%dma_start3A_41, %dma_start3A_42] : memref<1000000x128xf32, #tpu.memory_space<hbm>> -> memref<1000000x128xf32, #tpu.memory_space<hbm>>
    tpu.enqueue_indirect_dma source(%dma_start3A_43 : memref<1000000x128xf32, #tpu.memory_space<hbm>>) target(%arg6 : memref<256x128xf32, #tpu.memory_space<vmem>>) offsets(%dma_start3A_40 : memref<256xi32, #tpu.memory_space<vmem>>) semaphore(%arg9 : memref<!tpu.dma_semaphore, #tpu.memory_space<semaphore_mem>>)
    %dma_wait3A_44 = arith.constant 0 : i32
    %dma_wait3A_45 = arith.constant 0 : i32
    %dma_wait3A_46 = tpu.memref_slice %arg3[%dma_wait3A_44, %dma_wait3A_45] : memref<1000000x128xf32, #tpu.memory_space<hbm>> -> memref<256x128xf32, #tpu.memory_space<hbm>>
    %dma_wait3A_47 = arith.constant 0 : i32
    %dma_wait3A_48 = arith.constant 0 : i32
    %dma_wait3A_49 = tpu.memref_slice %arg3[%dma_wait3A_47, %dma_wait3A_48] : memref<1000000x128xf32, #tpu.memory_space<hbm>> -> memref<256x128xf32, #tpu.memory_space<hbm>>
    tpu.wait_dma2 semaphore(%arg10 : memref<!tpu.dma_semaphore, #tpu.memory_space<semaphore_mem>>) src(%dma_wait3A_49 : memref<256x128xf32, #tpu.memory_space<hbm>>) dst(%arg7 : memref<256x128xf32, #tpu.memory_space<vmem>>)
    %add3A_50 = arith.constant 24832 : i32
    %add3A_51 = arith.addi %mul3A_2, %add3A_50 : i32
    %dma_start3A_52 = arith.constant 0 : i32
    %dma_start3A_53 = tpu.memref_slice %arg4[%add3A_51, %dma_start3A_52] : memref<819200x128xf32, #tpu.memory_space<hbm>> -> memref<256x128xf32, #tpu.memory_space<hbm>>
    %dma_start3A_54 = arith.constant 0 : i32
    %dma_start3A_55 = tpu.memref_slice %arg4[%add3A_51, %dma_start3A_54] : memref<819200x128xf32, #tpu.memory_space<hbm>> -> memref<256x128xf32, #tpu.memory_space<hbm>>
    tpu.enqueue_dma source(%arg7 : memref<256x128xf32, #tpu.memory_space<vmem>>) target(%dma_start3A_55 : memref<256x128xf32, #tpu.memory_space<hbm>>) target_semaphore(%arg13 : memref<!tpu.dma_semaphore, #tpu.memory_space<semaphore_mem>>)
    %dma_wait3A_56 = arith.constant 0 : i32
    %dma_wait3A_57 = arith.constant 0 : i32
    %dma_wait3A_58 = tpu.memref_slice %arg3[%dma_wait3A_56, %dma_wait3A_57] : memref<1000000x128xf32, #tpu.memory_space<hbm>> -> memref<256x128xf32, #tpu.memory_space<hbm>>
    %dma_wait3A_59 = arith.constant 0 : i32
    %dma_wait3A_60 = arith.constant 0 : i32
    %dma_wait3A_61 = tpu.memref_slice %arg3[%dma_wait3A_59, %dma_wait3A_60] : memref<1000000x128xf32, #tpu.memory_space<hbm>> -> memref<256x128xf32, #tpu.memory_space<hbm>>
    tpu.wait_dma2 semaphore(%arg11 : memref<!tpu.dma_semaphore, #tpu.memory_space<semaphore_mem>>) src(%dma_wait3A_61 : memref<256x128xf32, #tpu.memory_space<hbm>>) dst(%arg8 : memref<256x128xf32, #tpu.memory_space<vmem>>)
    %add3A_62 = arith.constant 25088 : i32
    %add3A_63 = arith.addi %mul3A_2, %add3A_62 : i32
    %dma_start3A_64 = arith.constant 0 : i32
    %dma_start3A_65 = tpu.memref_slice %arg4[%add3A_63, %dma_start3A_64] : memref<819200x128xf32, #tpu.memory_space<hbm>> -> memref<256x128xf32, #tpu.memory_space<hbm>>
    %dma_start3A_66 = arith.constant 0 : i32
    %dma_start3A_67 = tpu.memref_slice %arg4[%add3A_63, %dma_start3A_66] : memref<819200x128xf32, #tpu.memory_space<hbm>> -> memref<256x128xf32, #tpu.memory_space<hbm>>
    tpu.enqueue_dma source(%arg8 : memref<256x128xf32, #tpu.memory_space<vmem>>) target(%dma_start3A_67 : memref<256x128xf32, #tpu.memory_space<hbm>>) target_semaphore(%arg14 : memref<!tpu.dma_semaphore, #tpu.memory_space<semaphore_mem>>)
    %dma_wait3A_68 = arith.constant 0 : i32
    %dma_wait3A_69 = arith.constant 0 : i32
    %dma_wait3A_70 = tpu.memref_slice %arg3[%dma_wait3A_68, %dma_wait3A_69] : memref<1000000x128xf32, #tpu.memory_space<hbm>> -> memref<256x128xf32, #tpu.memory_space<hbm>>
    %dma_wait3A_71 = arith.constant 0 : i32
    %dma_wait3A_72 = arith.constant 0 : i32
    %dma_wait3A_73 = tpu.memref_slice %arg3[%dma_wait3A_71, %dma_wait3A_72] : memref<1000000x128xf32, #tpu.memory_space<hbm>> -> memref<256x128xf32, #tpu.memory_space<hbm>>
    tpu.wait_dma2 semaphore(%arg9 : memref<!tpu.dma_semaphore, #tpu.memory_space<semaphore_mem>>) src(%dma_wait3A_73 : memref<256x128xf32, #tpu.memory_space<hbm>>) dst(%arg6 : memref<256x128xf32, #tpu.memory_space<vmem>>)
    %add3A_74 = arith.constant 25344 : i32
    %add3A_75 = arith.addi %mul3A_2, %add3A_74 : i32
    %dma_start3A_76 = arith.constant 0 : i32
    %dma_start3A_77 = tpu.memref_slice %arg4[%add3A_75, %dma_start3A_76] : memref<819200x128xf32, #tpu.memory_space<hbm>> -> memref<256x128xf32, #tpu.memory_space<hbm>>
    %dma_start3A_78 = arith.constant 0 : i32
    %dma_start3A_79 = tpu.memref_slice %arg4[%add3A_75, %dma_start3A_78] : memref<819200x128xf32, #tpu.memory_space<hbm>> -> memref<256x128xf32, #tpu.memory_space<hbm>>
    tpu.enqueue_dma source(%arg6 : memref<256x128xf32, #tpu.memory_space<vmem>>) target(%dma_start3A_79 : memref<256x128xf32, #tpu.memory_space<hbm>>) target_semaphore(%arg12 : memref<!tpu.dma_semaphore, #tpu.memory_space<semaphore_mem>>)
    %dma_wait3A_80 = arith.constant 0 : i32
    %dma_wait3A_81 = arith.constant 0 : i32
    %dma_wait3A_82 = tpu.memref_slice %arg4[%dma_wait3A_80, %dma_wait3A_81] : memref<819200x128xf32, #tpu.memory_space<hbm>> -> memref<256x128xf32, #tpu.memory_space<hbm>>
    %dma_wait3A_83 = arith.constant 0 : i32
    %dma_wait3A_84 = arith.constant 0 : i32
    %dma_wait3A_85 = tpu.memref_slice %arg4[%dma_wait3A_83, %dma_wait3A_84] : memref<819200x128xf32, #tpu.memory_space<hbm>> -> memref<256x128xf32, #tpu.memory_space<hbm>>
    tpu.wait_dma2 semaphore(%arg13 : memref<!tpu.dma_semaphore, #tpu.memory_space<semaphore_mem>>) src(%arg7 : memref<256x128xf32, #tpu.memory_space<vmem>>) dst(%dma_wait3A_85 : memref<256x128xf32, #tpu.memory_space<hbm>>)
    %dma_wait3A_86 = arith.constant 0 : i32
    %dma_wait3A_87 = arith.constant 0 : i32
    %dma_wait3A_88 = tpu.memref_slice %arg4[%dma_wait3A_86, %dma_wait3A_87] : memref<819200x128xf32, #tpu.memory_space<hbm>> -> memref<256x128xf32, #tpu.memory_space<hbm>>
    %dma_wait3A_89 = arith.constant 0 : i32
    %dma_wait3A_90 = arith.constant 0 : i32
    %dma_wait3A_91 = tpu.memref_slice %arg4[%dma_wait3A_89, %dma_wait3A_90] : memref<819200x128xf32, #tpu.memory_space<hbm>> -> memref<256x128xf32, #tpu.memory_space<hbm>>
    tpu.wait_dma2 semaphore(%arg14 : memref<!tpu.dma_semaphore, #tpu.memory_space<semaphore_mem>>) src(%arg8 : memref<256x128xf32, #tpu.memory_space<vmem>>) dst(%dma_wait3A_91 : memref<256x128xf32, #tpu.memory_space<hbm>>)
    %dma_wait3A_92 = arith.constant 0 : i32
    %dma_wait3A_93 = arith.constant 0 : i32
    %dma_wait3A_94 = tpu.memref_slice %arg4[%dma_wait3A_92, %dma_wait3A_93] : memref<819200x128xf32, #tpu.memory_space<hbm>> -> memref<256x128xf32, #tpu.memory_space<hbm>>
    %dma_wait3A_95 = arith.constant 0 : i32
    %dma_wait3A_96 = arith.constant 0 : i32
    %dma_wait3A_97 = tpu.memref_slice %arg4[%dma_wait3A_95, %dma_wait3A_96] : memref<819200x128xf32, #tpu.memory_space<hbm>> -> memref<256x128xf32, #tpu.memory_space<hbm>>
    tpu.wait_dma2 semaphore(%arg12 : memref<!tpu.dma_semaphore, #tpu.memory_space<semaphore_mem>>) src(%arg6 : memref<256x128xf32, #tpu.memory_space<vmem>>) dst(%dma_wait3A_97 : memref<256x128xf32, #tpu.memory_space<hbm>>)
    return
  }
}

</mosaic_0001>

<sc_bundles>
// kernel: kernel.3.cloned.1.call-start
scs
__scs_entry_jumppad:
0x0: {  	(pc) =	sbr.rel $0x88, $3  }
0x1: {  	(tag) =	ssettag $0x0;
	lr =	simm.s32 $0x1  }
0x2: {  	[smem:$0x3F9F] =	sst lr;
	_ =	strace $0xD0000000  }
0x3: {  	_ = 	snop  }
0x4: {  	_ = 	snop  }
0x5: {  	_ = 	snop  }
0x6: {  	_ = 	snop  }
0x7: {  	_ = 	snop  }
__scs_overlays_trampoline_lowered:
0x8: {  	[smem:$0x3FAE] =	sst s0  }
0x9: {  	[smem:$0x3FAF] =	sst s1  }
0xa: {  	[smem:$0x3FB0] =	sst s2  }
0xb: {  	[smem:$0x3FB1] =	sst s3  }
0xc: {  	[smem:$0x3FB2] =	sst s4  }
0xd: {  	[smem:$0x3FB3] =	sst s5  }
0xe: {  	[smem:$0x3FB4] =	sst s6  }
0xf: {  	[smem:$0x3FB5] =	sst s7  }
0x10: {  	[smem:$0x3FB6] =	sst s8  }
0x11: {  	[smem:$0x3FB7] =	sst s9;
	s0 =	simm.s32 @!p0 $0x0  }
0x12: {  	s1 =	sld [smem:$0x3F9D];
	s0 =	simm.s32 @p0 $0x1  }
0x13: {  	[smem:$0x3FB8] =	sst s0;
	s0 =	simm.s32 @!p1 $0x0  }
0x14: {  	s2 =	sld [smem:$0x3F9C];
	s0 =	simm.s32 @p1 $0x1  }
0x15: {  	[smem:$0x3FB9] =	sst s0;
	s0 =	simm.s32 @!p2 $0x0  }
0x16: {  	s3 =	sld [smem:$0x3FDB];
	s0 =	simm.s32 @p2 $0x1  }
0x17: {  	s4 =	simm.s32 $0x1BF5;
	[smem:$0x3FBB] =	sst s0  }
0x18: {  	s0 =	sld [smem:$0x3F9E];
	_ =	swait.ge [sflag:s4], $0x0  }
0x19: {  	s7 =	sld [smem:$0x3F9F]  }
0x1a: {  	s8 =	sadd.s32 $0xFFFFE003, lr  }
0x1b: {  	s9 =	sadd.s32 $0xFFFFFEF7, lr;
	s5 =	simm.s32 $0xFFFFFFFF;
	p2 =	slt.u32 s8, $0xFFFFF086  }
0x1c: {  	p1 =	slt.u32 s9, $0xF7A;
	s5 =	simm.s32 @!p2 $0x0  }
0x1d: {  	s5 =	simm.s32 @p1 $0x1;
	p0 =	seq.s32 s7, s2  }
0x1e: {  	s7 =	smul.u32 @!p0 $0xF7A, s2;
	p2 =	seq.s32 @!p0 s5, $0x0  }
0x1f: {  	s9 =	smul.u32 $0xF7A, s1;
	s8 =	simm.s32 @!p0 $0x1BF5;
	p2 =	por !p2, p0  }
0x20: {  	[sflag:s8] =	ssyncset.s32 @!p0 $0xFFFFF086;
	s6 =	sadd.s32 @!p0 s3, s7;
	s7 =	simm.s32 @!p0 $0x108  }
0x21: {  	s3 =	sadd.s32 s3, s9;
	s6 =	sadd.s32 @!p0 $0x88, s6;
	s7 =	simm.s32 @p2 $0x1082  }
0x22: {  	[simem:s7], [sflag:s8] =	dma.local @!p0 [hbm:s6], $0xF7A  }
0x23: {  	s9 =	sor.u32 $0xD0000000, s2;
	s6 =	simm.s32 $0x108;
	_ =	swait.ge @!p0 [sflag:s8], $0x0  }
0x24: {  	s3 =	sadd.s32 $0x88, s3;
	s6 =	simm.s32 @!p1 $0x1082;
	[sflag:s4] =	ssyncset.s32 $0xFFFFF086  }
0x25: {  	[simem:s6], [sflag:s4] =	dma.local [hbm:s3], $0xF7A  }
0x26: {  	[smem:$0x3F9F] =	sst s1;
	(tag) =	ssettag s2;
	_ =	strace s9  }
0x27: {  	s1 =	sld [smem:$0x3FAF]  }
0x28: {  	s2 =	sld [smem:$0x3FB0]  }
0x29: {  	s4 =	sld [smem:$0x3FB2]  }
0x2a: {  	p0 =	seq.s32 s5, $0x0;
	s5 =	sld [smem:$0x3FB3]  }
0x2b: {  	s6 =	sld [smem:$0x3FB4]  }
0x2c: {  	s7 =	sld [smem:$0x3FB5]  }
0x2d: {  	s3 =	simm.s32 $0x108;
	s8 =	sld [smem:$0x3FB6]  }
0x2e: {  	s3 =	simm.s32 @!p0 $0x1082;
	s9 =	sld [smem:$0x3FB7]  }
0x2f: {  	lr =	sadd.s32 s0, s3;
	s0 =	sld [smem:$0x3FAE]  }
0x30: {  	s3 =	sld [smem:$0x3FB1]  }
0x31: {  	[smem:$0x3FBA] =	sst s10  }
0x32: {  	s10 =	sld [smem:$0x3FB8];
	_ =	sdelay $0x3  }
0x33: {  	p0 =	seq.s32 s10, $0x1;
	s10 =	sld [smem:$0x3FBA];
	_ =	sdelay $0x3  }
0x34: {  	[smem:$0x3FBA] =	sst s10  }
0x35: {  	s10 =	sld [smem:$0x3FB9];
	_ =	sdelay $0x3  }
0x36: {  	p1 =	seq.s32 s10, $0x1;
	s10 =	sld [smem:$0x3FBA];
	_ =	sdelay $0x3  }
0x37: {  	[smem:$0x3FBA] =	sst s10  }
0x38: {  	s10 =	sld [smem:$0x3FBB]  }
0x39: {  	_ = 	snop;
	(pc) =	sbr.ind lr, $3  }
0x3a: {  	_ = 	snop  }
0x3b: {  	_ = 	snop  }
0x3c: {  	p2 =	seq.s32 s10, $0x1;
	s10 =	sld [smem:$0x3FBA]  }
0x3d: {  	_ =	shalt  }
0x3e: {  	_ =	shalt  }
0x3f: {  	_ =	shalt  }
0x40: {  	_ =	shalt  }
0x41: {  	_ =	shalt  }
0x42: {  	_ =	shalt  }
0x43: {  	_ =	shalt  }
0x44: {  	_ =	shalt  }
0x45: {  	_ =	shalt  }
0x46: {  	_ =	shalt  }
0x47: {  	_ =	shalt  }
0x48: {  	_ =	shalt  }
0x49: {  	_ =	shalt  }
0x4a: {  	_ =	shalt  }
0x4b: {  	_ =	shalt  }
0x4c: {  	_ =	shalt  }
0x4d: {  	_ =	shalt  }
0x4e: {  	_ =	shalt  }
0x4f: {  	_ =	shalt  }
0x50: {  	_ =	shalt  }
0x51: {  	_ =	shalt  }
0x52: {  	_ =	shalt  }
0x53: {  	_ =	shalt  }
0x54: {  	_ =	shalt  }
0x55: {  	_ =	shalt  }
0x56: {  	_ =	shalt  }
0x57: {  	_ =	shalt  }
0x58: {  	_ =	shalt  }
0x59: {  	_ =	shalt  }
0x5a: {  	_ =	shalt  }
0x5b: {  	_ =	shalt  }
0x5c: {  	_ =	shalt  }
0x5d: {  	_ =	shalt  }
0x5e: {  	_ =	shalt  }
0x5f: {  	_ =	shalt  }
0x60: {  	_ =	shalt  }
0x61: {  	_ =	shalt  }
0x62: {  	_ =	shalt  }
0x63: {  	_ =	shalt  }
0x64: {  	_ =	shalt  }
0x65: {  	_ =	shalt  }
0x66: {  	_ =	shalt  }
0x67: {  	_ =	shalt  }
0x68: {  	_ =	shalt  }
0x69: {  	_ =	shalt  }
0x6a: {  	_ =	shalt  }
0x6b: {  	_ =	shalt  }
0x6c: {  	_ =	shalt  }
0x6d: {  	_ =	shalt  }
0x6e: {  	_ =	shalt  }
0x6f: {  	_ =	shalt  }
0x70: {  	_ =	shalt  }
0x71: {  	_ =	shalt  }
0x72: {  	_ =	shalt  }
0x73: {  	_ =	shalt  }
0x74: {  	_ =	shalt  }
0x75: {  	_ =	shalt  }
0x76: {  	_ =	shalt  }
0x77: {  	_ =	shalt  }
0x78: {  	_ =	shalt  }
0x79: {  	_ =	shalt  }
0x7a: {  	_ =	shalt  }
0x7b: {  	_ =	shalt  }
0x7c: {  	_ =	shalt  }
0x7d: {  	_ =	shalt  }
0x7e: {  	_ =	shalt  }
0x7f: {  	_ =	shalt  }
0x80: {  	_ =	shalt  }
0x81: {  	_ =	shalt  }
0x82: {  	_ =	shalt  }
0x83: {  	_ =	shalt  }
0x84: {  	_ =	shalt  }
0x85: {  	_ =	shalt  }
0x86: {  	_ =	shalt  }
0x87: {  	_ =	shalt  }
.Lfunc_end0:
.L_simem_size_0:
called_computation.1_lowered:
.L_overlay_start_0:
0x88: {  	s2 =	sld [smem:$0x3FD9]  }
0x89: {  	s3 =	sld [smem:$0x3FFE];
	_ =	sdelay $0x1  }
0x8a: {  	s1 =	srdreg.scid  }
0x8b: {  	s0 =	sand.u32 $0x1, s1  }
0x8c: {  	s17 =	sshll.u32 s0, $0xA;
	s2 =	sadd.s32 s3, s2  }
0x8d: {  	s2 =	sadd.s32 s2, s17  }
0x8e: {  	[smem:$0x3FC6] =	sst s2  }
0x8f: {  	_ = 	snop  }
0x90: {  	s2 =	sld [smem:$0x3FC9];
	(tm) =	ssettm $0x1  }
0x91: {  	s18 =	sld [smem:$0x3FFB];
	_ =	sdelay $0x3  }
0x92: {  	_ =	strace s18  }
0x93: {  	s3 =	sld [smem:$0x3FFC];
	_ =	sdelay $0x3  }
0x94: {  	_ =	strace s3  }
0x95: {  	s3 =	sld [smem:$0x3FFD];
	_ =	sdelay $0x3  }
0x96: {  	_ =	strace s3  }
0x97: {  	_ =	strace $0x8FFFFFFF  }
0x98: {  	s19 =	sld [smem:$0x3FDB];
	_ =	sdelay $0x1  }
0x99: {  	s4 =	simm.s32 $_scs_section_size  }
0x9a: {  	s5 =	simm.s32 $_size__tile_overlayer_lowered;
	s6 =	simm.s32 $_tile_overlayer_lowered  }
0x9b: {  	s22 =	simm.s32 $0x1BFF;
	s21 =	sshll.u32 s6, $0x1;
	s3 =	sadd.s32 s4, s19  }
0x9c: {  	s7 =	simm.s32 $0x0;
	s20 =	sshll.u32 s5, $0x1;
	s5 =	sadd.s32 s21, s3  }
0x9d: {  	[timem:s7], [sflag:s22] =	dma.local [hbm:s5], s20  }
0x9e: {  	_ =	swait.ge [sflag:s22], s20  }
0x9f: {  	s4 =	ssub.s32 $0x0, s20;
	[sflag:s22] =	ssyncset.done $0x0  }
0xa0: {  	[sflag:s22] =	ssyncadd.s32 s4;
	_ =	sdelay $0x1  }
0xa1: {  	s23 =	simm.s32 $0x1B8B  }
0xa2: {  	_ =	swait.ge [sflag:s23], $0x1  }
0xa3: {  	[sflag:s23] =	ssyncset.done $0x0  }
0xa4: {  	s25 =	simm.s32 $0x1B8E;
	s24 =	sld [smem:$0x3FFE];
	[sflag:s23] =	ssyncadd.s32 $0xFFFFFFFF  }
0xa5: {  	s26 =	simm.s32 $execute0_lowered;
	[smem:$0x3FD2] =	sst s25  }
0xa6: {  	s5 =	sshll.u32 s26, $0x1;
	_ =	strace $0x80000046;
	[dreg:$0x1] =	wrdreg $0xFFFFFFFF  }
0xa7: {  	s28 =	simm.s32 $_size_execute0_lowered;
	s3 =	sadd.s32 s3, s5;
	[dreg:$0x0] =	wrdreg $0x0  }
0xa8: {  	s5 =	sshll.u32 s28, $0x1;
	[dreg:$0x2] =	wrdreg s3  }
0xa9: {  	[dreg:$0x3] =	wrdreg s5  }
0xaa: {  	[dreg:$0x4] =	wrdreg $0xC0  }
0xab: {  	_ =	task [dreg:s7], $0x5FFFF  }
0xac: {  	[dreg:$0x1] =	wrdreg $0xFFFFFFFF  }
0xad: {  	[dreg:$0x0] =	wrdreg $0x60  }
0xae: {  	[dreg:$0x2] =	wrdreg s2  }
0xaf: {  	[dreg:$0x3] =	wrdreg s24  }
0xb0: {  	[dreg:$0x4] =	wrdreg $0x9  }
0xb1: {  	_ =	task.clear_ibuf [dreg:s7], $0x5FFFF;
	_ =	strace $0x90000046  }
0xb2: {  	s29 =	simm.s32 $0x9;
	_ =	strace $0x80000048  }
0xb3: {  	_ =	swait.ge [sflag:s29], $0x1  }
0xb4: {  	[sflag:s29] =	ssyncadd.s32 $0xFFFFFFFF  }
0xb5: {  	_ =	strace $0x90000048  }
0xb6: {  	_ =	sfence  }
0xb7: {  	s30 =	sld [smem:$0x0];
	_ =	sdelay $0x2  }
0xb8: {  	s31 =	sshll.u32 s1, $0xD;
	s1 =	sshrl.u32 s1, $0x2  }
0xb9: {  	s3 =	sand.u32 $0x4000, s31;
	s1 =	sadd.s32 s1, s30  }
0xba: {  	s0 =	sor.u32 s3, s0;
	s1 =	sshll.u32 s1, $0x11  }
0xbb: {  	s0 =	sor.u32 s1, s0  }
0xbc: {  	s0 =	sadd.s32 $0x8F2B, s0  }
0xbd: {  	[sflag:s0] =	ssyncadd.remote.s32 $0x1  }
0xbe: {  	_ =	sfence.sel $0xFFFF  }
0xbf: {  	[dreg:$0x0] =	wrdreg $0xFFFFFFFF;
	(pc) =	sbr.abs _section_cstart, $3  }
0xc0: {  	[dreg:$0x1] =	wrdreg $0xFFFFFFFF  }
0xc1: {  	_ =	task.clear_ibuf [dreg:s7], $0x2FFFF;
	_ =	strace $0x9FFFFFFF  }
0xc2: {  	(tm) =	ssettm $0x7FFFFFFF  }
0xc3: {  	_ =	shalt  }
tec
execute0_lowered:
.L_overlay_start_1:
0x0: {  	(tag) =	ssettag $0x1  }
0x1: {  	s4 =	rddreg [dreg:$0x0]  }
0x2: {  	s5 =	rddreg [dreg:$0x1]  }
0x3: {  	s0 =	rddreg [dreg:$0x2];
	s2 =	simm.s32 $0x0;
	s3 =	srdreg.scid  }
0x4: {  	s1 =	stileid.u32;
	s13 =	simm.s32 $0x6400;
	s14 =	simm.s32 $0xE400  }
0x5: {  	s15 =	simm.s32 $0x1;
	s16 =	simm.s32 $0x200;
	s17 =	simm.s32 $0x16400  }
0x6: {  	s18 =	simm.s32 $0x2;
	s19 =	simm.s32 $0x4;
	s20 =	simm.s32 $0x3  }
0x7: {  	s21 =	simm.s32 $0x5;
	s22 =	simm.s32 $0x6;
	s23 =	simm.s32 $0x6300  }
0x8: {  	s6 =	sand.u32 $0x1, s3;
	s25 =	sshll.u32 s1, $0x1;
	s30 =	smul.u32 $0xC8000, s1  }
0x9: {  	s24 =	simm.s32 $0x0;
	s7 =	sor.u32 s6, s25;
	s31 =	smul.u32 $0x64000, s6  }
0xa: {  	[smem:$0x7FF] =	sst s2;
	s3 =	sadd.s32 $0xF42C00, s5;
	s9 =	smul.u32 $0x6400, s7  }
0xb: {  	s10 =	sadd.s32 $0x800, s5;
	s8 =	ssub.s32 $0x2, s6;
	s11 =	smul.u32 $0x320000, s7  }
0xc: {  	_ =	strace $0x80000047;
	s26 =	sshrl.u32 s8, $0x1;
	s7 =	smul.u32 $0x64000, s7  }
0xd: {  	s12 =	ssub.s32 s8, s26;
	s28 =	sshrl.u32 s9, $0x3;
	s29 =	sshrl.u32 s11, $0x3  }
0xe: {  	s5 =	sadd.s32 s10, s7;
	s9 =	smax.u32 s12, $0x1;
	s11 =	simm.s32 $0x7  }
0xf: {  	s12 =	simm.s32 $0x100;
	s8 =	sadd.s32 s10, s29;
	s10 =	sadd.s32 s30, s10  }
0x10: {  	s4 =	sadd.s32 s4, s28;
	s6 =	sadd.s32 $0x61000, s8;
	s10 =	sadd.s32 s31, s10  }
0x11: {  	s7 =	sadd.s32 $0x62000, s8;
	s8 =	sadd.s32 $0x63000, s8;
	s10 =	sadd.s32 $0x2000, s10  }
.LBB2_1:
0x12: {  	[tilespmem:s2], [sflag:$0x7] =	stream.linear.gather [hbm4b:s4+s2], $0x6400, $0x38;
	[tilespmem:$0x1E400] =	vst v63  }
0x13: {  	_ =	swait.ge [sflag:s11], $0x6400  }
0x14: {  	[sflag:s11] =	ssyncset.done $0x0  }
0x15: {  	[sflag:s11] =	ssyncadd.s32 $0xFFFF9C00  }
0x16: {  	[tilespmem:s13], [sflag:$0x1] =	stream.indirect.gather [hbm4b:s3+s12], $0x80, s2, s12, $0xb8;
	[tilespmem:$0x1E400] =	vst v63  }
0x17: {  	_ = 	snop  }
0x18: {  	[tilespmem:s14], [sflag:$0x2] =	stream.indirect.gather [hbm4b:s3+s12], $0x80, s12, s12, $0xb8;
	[tilespmem:$0x1E400] =	vst v63  }
0x19: {  	_ =	swait.ge [sflag:s15], $0x8000  }
0x1a: {  	[sflag:s15] =	ssyncset.done $0x0  }
0x1b: {  	[sflag:s15] =	ssyncadd.s32 $0xFFFF8000  }
0x1c: {  	[hbm4b:s5+s2] =	stream.linear.scatter [tilespmem:s13], [sflag:$0x4], $0x8000, $0x38;
	[tilespmem:$0x1E400] =	vst v63  }
0x1d: {  	_ = 	snop  }
0x1e: {  	[tilespmem:s17], [sflag:$0x3] =	stream.indirect.gather [hbm4b:s3+s12], $0x80, s16, s12, $0xb8;
	[tilespmem:$0x1E400] =	vst v63  }
0x1f: {  	_ =	swait.ge [sflag:s18], $0x8000  }
0x20: {  	[sflag:s18] =	ssyncset.done $0x0  }
0x21: {  	s25 =	sadd.s32 $0xFFFFF000, s10;
	[sflag:s18] =	ssyncadd.s32 $0xFFFF8000  }
0x22: {  	[hbm4b:s25+s2] =	stream.linear.scatter [tilespmem:s14], [sflag:$0x5], $0x8000, $0x38;
	[tilespmem:$0x1E400] =	vst v63  }
0x23: {  	_ =	swait.ge [sflag:s19], $0x8000  }
0x24: {  	[sflag:s19] =	ssyncset.done $0x0  }
0x25: {  	s29 =	simm.s32 $0x300;
	[sflag:s19] =	ssyncadd.s32 $0xFFFF8000  }
0x26: {  	[tilespmem:s13], [sflag:$0x1] =	stream.indirect.gather [hbm4b:s3+s12], $0x80, s29, s12, $0xb8;
	[tilespmem:$0x1E400] =	vst v63  }
0x27: {  	_ =	swait.ge [sflag:s20], $0x8000  }
0x28: {  	[sflag:s20] =	ssyncset.done $0x0  }
0x29: {  	[sflag:s20] =	ssyncadd.s32 $0xFFFF8000  }
0x2a: {  	[hbm4b:s10+s2] =	stream.linear.scatter [tilespmem:s17], [sflag:$0x6], $0x8000, $0x38;
	[tilespmem:$0x1E400] =	vst v63  }
0x2b: {  	_ =	swait.ge [sflag:s21], $0x8000  }
0x2c: {  	[sflag:s21] =	ssyncset.done $0x0  }
0x2d: {  	s30 =	simm.s32 $0x400;
	[sflag:s21] =	ssyncadd.s32 $0xFFFF8000  }
0x2e: {  	[tilespmem:s14], [sflag:$0x2] =	stream.indirect.gather [hbm4b:s3+s12], $0x80, s30, s12, $0xb8;
	[tilespmem:$0x1E400] =	vst v63  }
0x2f: {  	_ =	swait.ge [sflag:s15], $0x8000  }
0x30: {  	[sflag:s15] =	ssyncset.done $0x0  }
0x31: {  	s31 =	sadd.s32 $0x1000, s10;
	[sflag:s15] =	ssyncadd.s32 $0xFFFF8000  }
0x32: {  	[hbm4b:s31+s2] =	stream.linear.scatter [tilespmem:s13], [sflag:$0x4], $0x8000, $0x38;
	[tilespmem:$0x1E400] =	vst v63  }
0x33: {  	_ =	swait.ge [sflag:s22], $0x8000  }
0x34: {  	s28 =	simm.s32 $0x500;
	[sflag:s22] =	ssyncset.done $0x0  }
0x35: {  	s26 =	sadd.s32 $0x3000, s10;
	s25 =	simm.s32 $0xC00;
	[sflag:s22] =	ssyncadd.s32 $0xFFFF8000  }
.LBB2_2:
0x36: {  	[tilespmem:s17], [sflag:$0x3] =	stream.indirect.gather [hbm4b:s3+s12], $0x80, s28, s12, $0xb8;
	[tilespmem:$0x1E400] =	vst v63  }
0x37: {  	s28 =	smov.u32 s25  }
0x38: {  	p0 =	sne.s32 s25, $0x17400;
	s25 =	sadd.s32 $0xC00, s25;
	_ =	swait.ge [sflag:s18], $0x8000  }
0x39: {  	[sflag:s18] =	ssyncset.done $0x0  }
0x3a: {  	s29 =	sadd.s32 $0xFFFFF000, s26;
	[sflag:s18] =	ssyncadd.s32 $0xFFFF8000  }
0x3b: {  	[hbm4b:s29+s2] =	stream.linear.scatter [tilespmem:s14], [sflag:$0x5], $0x8000, $0x38;
	[tilespmem:$0x1E400] =	vst v63  }
0x3c: {  	_ =	swait.ge [sflag:s19], $0x8000  }
0x3d: {  	s28 =	sshra.s32 s28, $0x2;
	[sflag:s19] =	ssyncset.done $0x0  }
0x3e: {  	s29 =	sadd.s32 $0x300, s28;
	[sflag:s19] =	ssyncadd.s32 $0xFFFF8000  }
0x3f: {  	[tilespmem:s13], [sflag:$0x1] =	stream.indirect.gather [hbm4b:s3+s12], $0x80, s29, s12, $0xb8;
	[tilespmem:$0x1E400] =	vst v63  }
0x40: {  	_ =	swait.ge [sflag:s20], $0x8000  }
0x41: {  	[sflag:s20] =	ssyncset.done $0x0  }
0x42: {  	[sflag:s20] =	ssyncadd.s32 $0xFFFF8000  }
0x43: {  	[hbm4b:s26+s2] =	stream.linear.scatter [tilespmem:s17], [sflag:$0x6], $0x8000, $0x38;
	[tilespmem:$0x1E400] =	vst v63  }
0x44: {  	_ =	swait.ge [sflag:s21], $0x8000  }
0x45: {  	[sflag:s21] =	ssyncset.done $0x0  }
0x46: {  	s29 =	sadd.s32 $0x400, s28;
	[sflag:s21] =	ssyncadd.s32 $0xFFFF8000  }
0x47: {  	[tilespmem:s14], [sflag:$0x2] =	stream.indirect.gather [hbm4b:s3+s12], $0x80, s29, s12, $0xb8;
	[tilespmem:$0x1E400] =	vst v63  }
0x48: {  	_ =	swait.ge [sflag:s15], $0x8000  }
0x49: {  	[sflag:s15] =	ssyncset.done $0x0  }
.Ltmp0:
0x4a: {  	s29 =	sadd.s32 $0x1000, s26;
	[sflag:s15] =	ssyncadd.s32 $0xFFFF8000;
	(pc) =	sbr.rel @p0 .LBB2_2-.Ltmp0, $4  }
0x4b: {  	[hbm4b:s29+s2] =	stream.linear.scatter [tilespmem:s13], [sflag:$0x4], $0x8000, $0x38;
	[tilespmem:$0x1E400] =	vst v63  }
0x4c: {  	_ =	swait.ge [sflag:s22], $0x8000  }
0x4d: {  	[sflag:s22] =	ssyncset.done $0x0  }
0x4e: {  	s28 =	sadd.s32 $0x500, s28;
	s26 =	sadd.s32 $0x3000, s26;
	[sflag:s22] =	ssyncadd.s32 $0xFFFF8000  }
0x4f: {  	[tilespmem:s17], [sflag:$0x3] =	stream.indirect.gather [hbm4b:s3+s12], $0x80, s28, s12, $0xb8;
	[tilespmem:$0x1E400] =	vst v63  }
0x50: {  	_ =	swait.ge [sflag:s19], $0x8000  }
0x51: {  	[sflag:s19] =	ssyncset.done $0x0  }
0x52: {  	[sflag:s19] =	ssyncadd.s32 $0xFFFF8000  }
0x53: {  	[tilespmem:s13], [sflag:$0x1] =	stream.indirect.gather [hbm4b:s3+s12], $0x80, s23, s12, $0xb8;
	[tilespmem:$0x1E400] =	vst v63  }
0x54: {  	_ =	swait.ge [sflag:s18], $0x8000  }
0x55: {  	[sflag:s18] =	ssyncset.done $0x0  }
0x56: {  	[sflag:s18] =	ssyncadd.s32 $0xFFFF8000  }
0x57: {  	[hbm4b:s6+s2] =	stream.linear.scatter [tilespmem:s14], [sflag:$0x5], $0x8000, $0x38;
	[tilespmem:$0x1E400] =	vst v63  }
0x58: {  	_ =	swait.ge [sflag:s20], $0x8000  }
0x59: {  	[sflag:s20] =	ssyncset.done $0x0  }
0x5a: {  	[sflag:s20] =	ssyncadd.s32 $0xFFFF8000  }
0x5b: {  	[hbm4b:s7+s2] =	stream.linear.scatter [tilespmem:s17], [sflag:$0x6], $0x8000, $0x38;
	[tilespmem:$0x1E400] =	vst v63  }
0x5c: {  	_ =	swait.ge [sflag:s15], $0x8000  }
0x5d: {  	[sflag:s15] =	ssyncset.done $0x0  }
0x5e: {  	[sflag:s15] =	ssyncadd.s32 $0xFFFF8000  }
0x5f: {  	[hbm4b:s8+s2] =	stream.linear.scatter [tilespmem:s13], [sflag:$0x4], $0x8000, $0x38;
	[tilespmem:$0x1E400] =	vst v63  }
0x60: {  	_ =	swait.ge [sflag:s21], $0x8000  }
0x61: {  	[sflag:s21] =	ssyncset.done $0x0  }
0x62: {  	s24 =	sadd.s32 $0x1, s24;
	[sflag:s21] =	ssyncadd.s32 $0xFFFF8000  }
0x63: {  	p0 =	sne.s32 s24, s9;
	_ =	swait.ge [sflag:s22], $0x8000  }
.Ltmp1:
0x64: {  	[sflag:s22] =	ssyncset.done $0x0;
	(pc) =	sbr.rel @p0 .LBB2_1-.Ltmp1, $4  }
0x65: {  	[sflag:s22] =	ssyncadd.s32 $0xFFFF8000  }
0x66: {  	_ =	swait.ge [sflag:s19], $0x8000  }
0x67: {  	[sflag:s19] =	ssyncset.done $0x0  }
0x68: {  	[sflag:s19] =	ssyncadd.s32 $0xFFFF8000  }
0x69: {  	_ =	sfence.sel $0x180000  }
0x6a: {  	[bflag:$0x0] =	sbarrier.arrive $0xFFFF  }
0x6b: {  	p0 =	sne.s32 s1, $0x0;
	_ =	strace $0x90000047  }
0x6c: {  	s0 =	sadd.s32 @!p0 $0x100000, s0;
	[bflag:$0x2] =	sbarrier.arrive $0xFFFF  }
0x6d: {  	[sflag:s0] =	ssyncadd.tile.s32 @!p0 $0x1;
	_ =	shalt  }
.Lfunc_end2:
_tile_overlayer_lowered:
.L_overlay_start_2:
0x6e: {  	(tag) =	ssettag $0x2  }
0x6f: {  	s0 =	rddreg [dreg:$0x0];
	s2 =	stileid.u32  }
0x70: {  	s1 =	rddreg [dreg:$0x1];
	p0 =	sne.s32 s2, $0x0  }
0x71: {  	s3 =	rddreg [dreg:$0x2];
	[bflag:$0x3] =	sbarrier.arrive $0xFFFF;
	s2 =	simm.s32 @!p0 $0x1C07  }
0x72: {  	[timem:s3], [sflag:s2] =	dma.local @!p0 [hbm:s0], s1  }
0x73: {  	s0 =	simm.s32 @!p0 $0x7  }
0x74: {  	_ =	swait.ge @!p0 [sflag:s0], s1  }
0x75: {  	s1 =	ssub.s32 @!p0 $0x0, s1;
	[sflag:s0] =	ssyncset.done @!p0 $0x0  }
0x76: {  	[sflag:s0] =	ssyncadd.s32 @!p0 s1  }
0x77: {  	[bflag:$0x3] =	sbarrier.arrive $0xFFFF  }
0x78: {  	_ =	shalt  }

// kernel: sparse-core-data-format-call.cloned.1.call-start
scs
called_computation_lowered:
.L_overlay_start_0:
0x0: {  	s2 =	sld [smem:$0x3FD9]  }
0x1: {  	s3 =	sld [smem:$0x3FFE];
	_ =	sdelay $0x1  }
0x2: {  	s1 =	srdreg.scid  }
0x3: {  	s0 =	sand.u32 $0x1, s1  }
0x4: {  	s18 =	sshll.u32 s0, $0xA;
	s2 =	sadd.s32 s3, s2  }
0x5: {  	s2 =	sadd.s32 s2, s18  }
0x6: {  	[smem:$0x3FC6] =	sst s2  }
0x7: {  	_ = 	snop  }
0x8: {  	s2 =	sld [smem:$0x3FD0];
	(tm) =	ssettm $0x1  }
0x9: {  	s19 =	sld [smem:$0x3FFB];
	_ =	sdelay $0x3  }
0xa: {  	_ =	strace s19  }
0xb: {  	s3 =	sld [smem:$0x3FFC];
	_ =	sdelay $0x3  }
0xc: {  	_ =	strace s3  }
0xd: {  	s3 =	sld [smem:$0x3FFD];
	_ =	sdelay $0x3  }
0xe: {  	_ =	strace s3  }
0xf: {  	_ =	strace $0x8FFFFFFF  }
0x10: {  	s20 =	sld [smem:$0x3FDB];
	_ =	sdelay $0x1  }
0x11: {  	s4 =	simm.s32 $_scs_section_size  }
0x12: {  	s5 =	simm.s32 $_size__tile_overlayer_lowered;
	s6 =	simm.s32 $_tile_overlayer_lowered  }
0x13: {  	s23 =	simm.s32 $0x1BFF;
	s22 =	sshll.u32 s6, $0x1;
	s3 =	sadd.s32 s4, s20  }
0x14: {  	s7 =	simm.s32 $0x0;
	s21 =	sshll.u32 s5, $0x1;
	s5 =	sadd.s32 s22, s3  }
0x15: {  	[timem:s7], [sflag:s23] =	dma.local [hbm:s5], s21  }
0x16: {  	_ =	swait.ge [sflag:s23], s21  }
0x17: {  	s4 =	ssub.s32 $0x0, s21;
	[sflag:s23] =	ssyncset.done $0x0  }
0x18: {  	[sflag:s23] =	ssyncadd.s32 s4;
	_ =	sdelay $0x1  }
0x19: {  	s24 =	simm.s32 $0x1B8B  }
0x1a: {  	_ =	swait.ge [sflag:s24], $0x1  }
0x1b: {  	[sflag:s24] =	ssyncset.done $0x0  }
0x1c: {  	s26 =	simm.s32 $0x1B8E;
	s25 =	sld [smem:$0x3FFE];
	[sflag:s24] =	ssyncadd.s32 $0xFFFFFFFF  }
0x1d: {  	s27 =	simm.s32 $execute0_lowered;
	[smem:$0x3FD2] =	sst s26  }
0x1e: {  	s5 =	sshll.u32 s27, $0x1;
	_ =	strace $0x80000049;
	[dreg:$0x1] =	wrdreg $0xFFFFFFFF  }
0x1f: {  	s28 =	simm.s32 $_size_execute0_lowered;
	s3 =	sadd.s32 s3, s5;
	[dreg:$0x0] =	wrdreg $0x0  }
0x20: {  	s5 =	sshll.u32 s28, $0x1;
	[dreg:$0x2] =	wrdreg s3  }
0x21: {  	[dreg:$0x3] =	wrdreg s5  }
0x22: {  	[dreg:$0x4] =	wrdreg $0xC0  }
0x23: {  	_ =	task [dreg:s7], $0x5FFFF  }
0x24: {  	[dreg:$0x1] =	wrdreg $0xFFFFFFFF  }
0x25: {  	[dreg:$0x0] =	wrdreg $0x60  }
0x26: {  	[dreg:$0x2] =	wrdreg s25  }
0x27: {  	[dreg:$0x3] =	wrdreg s2  }
0x28: {  	[dreg:$0x4] =	wrdreg $0x9  }
0x29: {  	_ =	task.clear_ibuf [dreg:s7], $0x5FFFF;
	_ =	strace $0x90000049  }
0x2a: {  	s29 =	simm.s32 $0x9;
	_ =	strace $0x8000004B  }
0x2b: {  	_ =	swait.ge [sflag:s29], $0x1  }
0x2c: {  	[sflag:s29] =	ssyncadd.s32 $0xFFFFFFFF  }
0x2d: {  	_ =	strace $0x9000004B  }
0x2e: {  	_ =	sfence  }
0x2f: {  	s30 =	sld [smem:$0x0];
	_ =	sdelay $0x2  }
0x30: {  	s31 =	sshll.u32 s1, $0xD;
	s1 =	sshrl.u32 s1, $0x2  }
0x31: {  	s3 =	sand.u32 $0x4000, s31;
	s1 =	sadd.s32 s1, s30  }
0x32: {  	s0 =	sor.u32 s3, s0;
	s1 =	sshll.u32 s1, $0x11  }
0x33: {  	s0 =	sor.u32 s1, s0  }
0x34: {  	s0 =	sadd.s32 $0x8F2B, s0  }
0x35: {  	[sflag:s0] =	ssyncadd.remote.s32 $0x1  }
0x36: {  	_ =	sfence.sel $0xFFFF  }
0x37: {  	[dreg:$0x0] =	wrdreg $0xFFFFFFFF;
	(pc) =	sbr.abs _section_cstart, $3  }
0x38: {  	[dreg:$0x1] =	wrdreg $0xFFFFFFFF  }
0x39: {  	_ =	task.clear_ibuf [dreg:s7], $0x2FFFF;
	_ =	strace $0x9FFFFFFF  }
0x3a: {  	(tm) =	ssettm $0x7FFFFFFF  }
0x3b: {  	_ =	shalt  }
tec
execute0_lowered:
.L_overlay_start_1:
0x0: {  	(tag) =	ssettag $0x1  }
0x1: {  	s0 =	srdreg.scid  }
0x2: {  	s1 =	sshll.u32 s0, $0x4  }
0x3: {  	s4 =	rddreg [dreg:$0x0];
	s0 =	stileid.u32;
	s1 =	sand.u32 $0x10, s1  }
0x4: {  	s2 =	rddreg [dreg:$0x1];
	s7 =	simm.s32 $0x1;
	s1 =	sor.u32 s0, s1  }
0x5: {  	s8 =	simm.s32 $0x2;
	s11 =	simm.s32 $0x0;
	s3 =	sshll.u32 s1, $0x7  }
0x6: {  	s10 =	simm.s32 $0x0;
	s4 =	sadd.s32 $0x800, s4;
	s6 =	ssub.s32 $0xC8000, s3  }
.Ltmp0:
0x7: {  	s1 =	rddreg [dreg:$0x2];
	s5 =	sand.u32 $0xF80, s6;
	(pc) =	sbr.rel .LBB1_1-.Ltmp0, $4  }
0x8: {  	_ =	strace $0x8000004A;
	s9 =	smov.u32 s3;
	p0 =	sne.s32 s5, $0x0  }
0x9: {  	s6 =	sshrl.u32 s6, $0xC;
	s5 =	simm.s32 $0x1;
	s7 =	simm.s32 @!p0 $0x0  }
0xa: {  	[sflag:s5] =	ssyncpa.u1 $0x0;
	p0 =	por $0x0, $0x0;
	s6 =	sadd.s32 s7, s6  }
0xb: {  	[sflag:s8] =	ssyncpa.u1 $0x0;
	s8 =	simm.s32 $0x640000;
	s7 =	sadd.s32 $0x1, s6  }
.LBB1_4:
0xc: {  	s14 =	sshll.u32 s11, $0x3  }
0xd: {  	s30 =	sand.u32 $0x7F, s11;
	s15 =	sand.u32 $0xFFFFFC00, s14  }
0xe: {  	s11 =	sor.u32 s30, s15  }
0xf: {  	s15 =	smulhi.u32 $0x51EB851F, s11  }
0x10: {  	s14 =	smulhi.u32 $0x51EB851F, s14  }
0x11: {  	s15 =	sshrl.u32 s15, $0x12  }
0x12: {  	s14 =	sshrl.u32 s14, $0x12;
	s15 =	smul.u32 $0xC8000, s15  }
0x13: {  	s14 =	sand.u32 $0x3F, s14  }
0x14: {  	s14 =	smul.u32 $0x19000, s14;
	s11 =	ssub.s32 s11, s15  }
0x15: {  	[tilespmem:s13+$0x810 ss:$0x81] =	vst.msk $0xffff, v2;
	s15 =	sand.u32 $0x7, s11  }
0x16: {  	[tilespmem:s13+$0x1020 ss:$0x81] =	vst.msk $0xffff, v0;
	s14 =	sadd.s32 s2, s14;
	s11 =	sshrl.u32 s11, $0x3;
	s15 =	sshll.u32 s15, $0x12  }
0x17: {  	[tilespmem:s13+$0x0 ss:$0x81] =	vst.msk $0xffff, v1;
	s11 =	sadd.s32 s11, s14;
	s31 =	sor.u32 $0x400, s15  }
0x18: {  	[hbm4b:s11+s31] =	stream.strided.scatter [tilespmem:s12], [sflag:$0x2], $0x2000, s8, s31, $0x20;
	[tilespmem:$0x8080] =	vst v63  }
.LBB1_5:
0x19: {  	s13 =	sadd.s32 $0x1000, s9  }
0x1a: {  	p2 =	sgt.s32 s13, $0xC7FFF  }
0x1b: {  	s13 =	smov.u32 @p2 s3;
	p2 =	sne.s32 s10, s7  }
.Ltmp1:
0x1c: {  	p1 =	slt.u32 s10, $0x2;
	(pc) =	sbr.rel @!p2 .LBB1_6-.Ltmp1, $4  }
0x1d: {  	s12 =	simm.s32 @!p1 $0x2  }
0x1e: {  	s14 =	sadd.s32 $0x1, s10;
	_ =	swait.ge @!p1 [sflag:s12], $0x2000  }
0x1f: {  	s11 =	smov.u32 s9;
	p0 =	por !p0, !p0;
	[sflag:s12] =	ssyncset.done @!p1 $0x0  }
0x20: {  	s10 =	smov.u32 s14;
	s9 =	smov.u32 s13;
	[sflag:s12] =	ssyncadd.s32 @!p1 $0xFFFFE000  }
.LBB1_1:
0x21: {  	p1 =	sge.u32 s10, s6  }
0x22: {  	s12 =	sand.u32 @!p1 $0x1FFFFFF, s9  }
0x23: {  	s13 =	smulhi.u32 @!p1 $0x147AE15, s12;
	_ =	sdelay $0x1  }
0x24: {  	s13 =	sshrl.u32 @!p1 s13, $0xC  }
0x25: {  	s13 =	smul.u32 @!p1 $0xC8000, s13;
	_ =	sdelay $0x1  }
0x26: {  	s31 =	sadd.s32 $0xFFFFFFFF, s10;
	s14 =	sxor.u32 @!p1 $0xFFFFFFFF, s10;
	s12 =	ssub.s32 @!p1 s12, s13  }
0x27: {  	s15 =	simm.s32 @!p1 $0x80;
	s14 =	sshll.u32 @!p1 s14, $0xD;
	s12 =	sshll.u32 @!p1 s12, $0x4  }
0x28: {  	s13 =	sand.u32 @!p1 $0x2000, s14;
	s14 =	simm.s32 @!p1 $0x40;
	s12 =	sadd.s32 @!p1 s4, s12  }
0x29: {  	[tilespmem:s13], [sflag:$0x1] =	stream.strided.gather @!p1 [hbm4b:s12+s14], $0x2000, s15, s14, $0x38;
	[tilespmem:$0x8080] =	vst v63  }
0x2a: {  	p1 =	sge.u32 s31, s6  }
.Ltmp2:
0x2b: {  	_ = 	snop;
	(pc) =	sbr.rel @p1 .LBB1_5-.Ltmp2, $1  }
0x2c: {  	_ =	sdelay $0x3  }
0x2d: {  	s12 =	simm.s32 $0x1  }
0x2e: {  	_ =	swait.ge [sflag:s5], $0x2000;
	s12 =	simm.s32 @!p0 $0x0  }
0x2f: {  	[sflag:s5] =	ssyncset.done $0x0;
	s13 =	sshll.u32 s12, $0xD  }
0x30: {  	[sflag:s5] =	ssyncadd.s32 $0xFFFFE000;
	s16 =	sor.u32 $0x20, s13  }
0x31: {  	s12 =	smul.u32 $0x8100, s12;
	v3 =	vld [tilespmem:s16+$0x10]  }
0x32: {  	s30 =	sand.u32 $0x1, s10;
	v2 =	vld [tilespmem:s16+$0xFFFFFFF0]  }
0x33: {  	s13 =	smul.u32 $0x8100, s30;
	s12 =	sshrl.u32 s12, $0x2;
	v0 =	vld [tilespmem:s16+$0x0]  }
0x34: {  	v1 =	vld [tilespmem:s16+$0xFFFFFFE0];
	s14 =	sor.u32 $0x4000, s12  }
0x35: {  	s31 =	sshrl.u32 s13, $0x2;
	s13 =	sadd.s32 $0x0, s14  }
0x36: {  	s15 =	simm.s32 $0x4;
	s16 =	sadd.s32 $0x40, s16;
	s12 =	sor.u32 $0x4000, s31;
	[tilespmem:s13+$0x1830 ss:$0x81] =	vst.msk $0xffff, v3  }
.LBB1_3:
0x37: {  	v3 =	vld [tilespmem:s16+$0x10];
	p1 =	sne.s32 s15, $0x1FC;
	[tilespmem:s13+$0x810 ss:$0x81] =	vst.msk $0xffff, v2;
	s17 =	smov.u32 s15;
	s15 =	sadd.s32 $0x4, s15  }
.Ltmp3:
0x38: {  	v2 =	vld [tilespmem:s16+$0xFFFFFFF0];
	[tilespmem:s13+$0x1020 ss:$0x81] =	vst.msk $0xffff, v0;
	(pc) =	sbr.rel @p1 .LBB1_3-.Ltmp3, $4  }
0x39: {  	v0 =	vld [tilespmem:s16+$0x0];
	[tilespmem:s13+$0x0 ss:$0x81] =	vst.msk $0xffff, v1  }
0x3a: {  	s13 =	sshra.s32 s17, $0x2;
	v1 =	vld [tilespmem:s16+$0xFFFFFFE0]  }
0x3b: {  	s13 =	sadd.s32 s13, s14  }
0x3c: {  	s16 =	sadd.s32 $0x40, s16;
	[tilespmem:s13+$0x1830 ss:$0x81] =	vst.msk $0xffff, v3  }
.Ltmp4:
0x3d: {  	_ = 	snop;
	(pc) =	sbr.rel .LBB1_4-.Ltmp4, $1  }
0x3e: {  	_ =	sdelay $0x3  }
.LBB1_6:
0x3f: {  	_ =	sfence.sel $0x180000  }
0x40: {  	s2 =	simm.s32 $0x1;
	[bflag:$0x0] =	sbarrier.arrive $0xFFFF  }
0x41: {  	s31 =	simm.s32 $0x2;
	[sflag:s2] =	ssyncpa.u1 $0x1  }
0x42: {  	[sflag:s31] =	ssyncpa.u1 $0x1  }
0x43: {  	p0 =	sne.s32 s0, $0x0;
	_ =	strace $0x9000004A  }
0x44: {  	s0 =	sadd.s32 @!p0 $0x100000, s1;
	[bflag:$0x2] =	sbarrier.arrive $0xFFFF  }
0x45: {  	[sflag:s0] =	ssyncadd.tile.s32 @!p0 $0x1;
	_ =	shalt  }
.Lfunc_end1:
_tile_overlayer_lowered:
.L_overlay_start_2:
0x46: {  	(tag) =	ssettag $0x2  }
0x47: {  	s0 =	rddreg [dreg:$0x0];
	s2 =	stileid.u32  }
0x48: {  	s1 =	rddreg [dreg:$0x1];
	p0 =	sne.s32 s2, $0x0  }
0x49: {  	s3 =	rddreg [dreg:$0x2];
	[bflag:$0x3] =	sbarrier.arrive $0xFFFF;
	s2 =	simm.s32 @!p0 $0x1C01  }
0x4a: {  	[timem:s3], [sflag:s2] =	dma.local @!p0 [hbm:s0], s1  }
0x4b: {  	s0 =	simm.s32 @!p0 $0x1  }
0x4c: {  	_ =	swait.ge @!p0 [sflag:s0], s1  }
0x4d: {  	s1 =	ssub.s32 @!p0 $0x0, s1;
	[sflag:s0] =	ssyncset.done @!p0 $0x0  }
0x4e: {  	[sflag:s0] =	ssyncadd.s32 @!p0 s1  }
0x4f: {  	[bflag:$0x3] =	sbarrier.arrive $0xFFFF  }
0x50: {  	_ =	shalt  }

</sc_bundles>
